<compile_context>
chip_gen: v7x
topology: tpu7x:2x2x1
jax: 0.10.2.dev20260603
libtpu: 0.0.44.dev20260713+nightly
codegen_flags: <defaults>
</compile_context>

<pallas_src>
import functools

import jax
import jax.numpy as jnp
from jax import lax
from jax.experimental import pallas as pl
from jax.experimental.pallas import tpu as pltpu
from jax.experimental.pallas import tpu_sc as plsc

N_TOKENS = 8192
N_CODES = 8192
D = 32
TB = 128

NC = 2
NS = 16
NW = NC * NS
BPW = N_TOKENS // NW
HALF = BPW // 2


def _argmin_body(x_ref, ehi_ref, elo_ref, x2_ref, e2_ref, idx_ref):
    x = x_ref[...]
    e_hi = ehi_ref[...]
    e_lo = elo_ref[...]
    x2 = x2_ref[...]
    e2 = e2_ref[...]
    lhs = (2.0 * x).astype(jnp.bfloat16)
    dn = (((1,), (1,)), ((), ()))
    p_hi = lax.dot_general(lhs, e_hi, dn, preferred_element_type=jnp.float32)
    p_lo = lax.dot_general(lhs, e_lo, dn, preferred_element_type=jnp.float32)
    dist = (x2 - (p_hi + p_lo)) + e2
    m = jnp.min(dist, axis=1, keepdims=True)
    cols = lax.broadcasted_iota(jnp.int32, dist.shape, 1)
    idx = jnp.min(jnp.where(dist == m, cols, jnp.int32(2**30)), axis=1)
    idx_ref[0, 0, :] = idx


def _stage1(x, e):
    x2 = (x ** 2).sum(axis=1, keepdims=True)
    e2 = (e ** 2).sum(axis=1)[None, :]
    e_hi = e.astype(jnp.bfloat16)
    e_lo = (e - e_hi.astype(jnp.float32)).astype(jnp.bfloat16)
    grid = N_TOKENS // TB
    out = pl.pallas_call(
        _argmin_body,
        grid=(grid,),
        in_specs=[
            pl.BlockSpec((TB, D), lambda i: (i, 0)),
            pl.BlockSpec((N_CODES, D), lambda i: (0, 0)),
            pl.BlockSpec((N_CODES, D), lambda i: (0, 0)),
            pl.BlockSpec((TB, 1), lambda i: (i, 0)),
            pl.BlockSpec((1, N_CODES), lambda i: (0, 0)),
        ],
        out_specs=pl.BlockSpec((1, 1, TB), lambda i: (i, 0, 0)),
        out_shape=jax.ShapeDtypeStruct((grid, 1, TB), jnp.int32),
    )(x, e_hi, e_lo, x2, e2)
    return out.reshape(N_TOKENS)


def _sc_body(e_hbm, idx_hbm, emb_out, cnt_out,
             idx_a, idx_b, rows_a, rows_b, cnt_v, sem):
    cid = lax.axis_index("c")
    sid = lax.axis_index("s")
    wid = sid * NC + cid
    base = wid * BPW

    pltpu.sync_copy(idx_hbm.at[pl.ds(base, HALF)], idx_a)
    pltpu.sync_copy(idx_hbm.at[pl.ds(base + HALF, HALF)], idx_b)

    zeros16 = jnp.zeros((16,), jnp.int32)

    def _zero(i, carry):
        cnt_v[pl.ds(i * 16, 16)] = zeros16
        return carry

    lax.fori_loop(0, N_CODES // 16, _zero, 0)

    pltpu.async_copy(e_hbm.at[idx_a], rows_a, sem).wait()
    pltpu.async_copy(e_hbm.at[idx_b], rows_b, sem).wait()
    pltpu.sync_copy(rows_a, emb_out.at[pl.ds(base, HALF)])
    pltpu.sync_copy(rows_b, emb_out.at[pl.ds(base + HALF, HALF)])

    ones16 = jnp.ones((16,), jnp.int32)

    def _hist(ref):
        def body(i, carry):
            v = ref[pl.ds(i * 16, 16)]
            plsc.addupdate_scatter(cnt_v, [v], ones16)
            return carry
        lax.fori_loop(0, HALF // 16, body, 0)

    _hist(idx_a)
    _hist(idx_b)

    pltpu.sync_copy(cnt_v, cnt_out.at[wid])


@functools.cache
def _make_sc_gather():
    return pl.kernel(
        _sc_body,
        out_type=(
            jax.ShapeDtypeStruct((N_TOKENS, D), jnp.float32),
            jax.ShapeDtypeStruct((NW, N_CODES), jnp.int32),
        ),
        mesh=plsc.VectorSubcoreMesh(
            core_axis_name="c", subcore_axis_name="s",
            num_cores=NC, num_subcores=NS,
        ),
        scratch_types=[
            pltpu.VMEM((HALF,), jnp.int32),
            pltpu.VMEM((HALF,), jnp.int32),
            pltpu.VMEM((HALF, D), jnp.float32),
            pltpu.VMEM((HALF, D), jnp.float32),
            pltpu.VMEM((N_CODES,), jnp.int32),
            pltpu.SemaphoreType.DMA,
        ],
        compiler_params=pltpu.CompilerParams(
            needs_layout_passes=False, use_tc_tiling_on_sc=False),
    )


def _final_body(x_ref, emb_ref, cnt_ref, st_ref, loss_ref, perp_ref,
                ncode_ref, ratio_ref):
    x = x_ref[...]
    emb = emb_ref[...]
    d = emb - x
    st_ref[...] = d + x
    mse = jnp.mean(d * d)
    loss_ref[...] = jnp.reshape(jnp.minimum(mse, 10.0) * 0.25, (1, 1))

    cnt2 = cnt_ref[...]
    cnt = jnp.sum(cnt2, axis=0, keepdims=True)
    avg = cnt.astype(jnp.float32) * (1.0 / N_TOKENS)
    ent = jnp.sum(avg * jnp.log(avg + 1e-7))
    perp_ref[...] = jnp.reshape(jnp.exp(-ent), (1, 1))
    used = jnp.sum((cnt > 0).astype(jnp.int32))
    ncode_ref[...] = jnp.reshape(used, (1, 1))
    ratio_ref[...] = jnp.reshape(used.astype(jnp.float32) / N_CODES, (1, 1))


def _stage3(x, emb_flat, counts2):
    return pl.pallas_call(
        _final_body,
        out_shape=(
            jax.ShapeDtypeStruct((N_TOKENS, D), jnp.float32),
            jax.ShapeDtypeStruct((1, 1), jnp.float32),
            jax.ShapeDtypeStruct((1, 1), jnp.float32),
            jax.ShapeDtypeStruct((1, 1), jnp.int32),
            jax.ShapeDtypeStruct((1, 1), jnp.float32),
        ),
    )(x, emb_flat, counts2)


def kernel(z, embeddings):
    b, c, h, w = z.shape
    x = jnp.moveaxis(z, 1, -1).reshape(-1, c)
    idx_flat = _stage1(x, embeddings)
    emb_flat, counts2 = _make_sc_gather()(embeddings, idx_flat)
    st_flat, loss, perp, ncodes, ratio = _stage3(x, emb_flat, counts2)
    encoding_indices = idx_flat.reshape(b, h, w)
    embeddings_st = jnp.moveaxis(st_flat.reshape(b, h, w, c), -1, 1)
    return (
        embeddings_st,
        encoding_indices,
        loss.reshape(()),
        perp.reshape(()),
        ncodes.reshape(()),
        ratio.reshape(()),
    )

# --- scband reference (transcript-rebuilt; emitter-appended) ---
"""Pipeline reference for scband-codebook-77962246357406 (READ-ONLY COPY).

The authoritative reference and input builder live on the scoring server;
editing this copy changes nothing except your own understanding.
"""

import jax, jax.numpy as jnp
import numpy as np


def setup_inputs(seed: int = 0) -> dict:
    key = jax.random.key(seed)
    kz, ke = jax.random.split(key)
    z = jax.random.normal(kz, (8, 32, 32, 32), dtype=jnp.float32)
    embeddings = jax.random.normal(ke, (8192, 32), dtype=jnp.float32)
    return {"z": z, "embeddings": embeddings}


def reference(z, embeddings):
    # Eval-mode forward of the VQ Codebook (no EMA update / no init branch).
    n_codes, d = embeddings.shape
    # shift_dim(z, 1, -1) then flatten to [num_tokens, d]
    flat_inputs = jnp.moveaxis(z, 1, -1).reshape(-1, d)
    distances = (
        (flat_inputs ** 2).sum(axis=1, keepdims=True)
        - 2.0 * flat_inputs @ embeddings.T
        + (embeddings ** 2).sum(axis=1)[None, :]
    )
    encoding_indices_flat = jnp.argmin(distances, axis=1)
    encode_onehot = jax.nn.one_hot(encoding_indices_flat, n_codes, dtype=flat_inputs.dtype)
    encoding_indices = encoding_indices_flat.reshape((z.shape[0],) + z.shape[2:])
    # embedding lookup (gather) then shift_dim(-1, 1)
    emb = jnp.take(embeddings, encoding_indices, axis=0)
    emb = jnp.moveaxis(emb, -1, 1)
    commitment_loss = jnp.minimum(jnp.mean((z - jax.lax.stop_gradient(emb)) ** 2), 10.0) * 0.25
    embeddings_st = jax.lax.stop_gradient(emb - z) + z
    avg_probs = jnp.mean(encode_onehot, axis=0)
    perplexity = jnp.exp(-jnp.sum(avg_probs * jnp.log(avg_probs + 1e-7)))
    num_codes_used = jnp.sum(avg_probs > 0)
    code_usage_ratio = num_codes_used.astype(jnp.float32) / n_codes
    return (embeddings_st, encoding_indices, commitment_loss, perplexity, num_codes_used, code_usage_ratio)

if __name__ == "__main__":
    import jax
    _d = setup_inputs()
    print(jax.jit(kernel)(*tuple(_d.values())))

</pallas_src>

<mosaic_0001>
#map = affine_map<(d0, d1) -> (0, 0)>
#map1 = affine_map<(d0, d1) -> (0)>
module attributes {stable_mosaic.version = 14 : i64} {
  func.func @_sc_body(%arg0: i32, %arg1: i32, %arg2: memref<8192x32xf32, #tpu.memory_space<hbm>>, %arg3: memref<8192xi32, #tpu.memory_space<hbm>>, %arg4: memref<8192x32xf32, #tpu.memory_space<hbm>>, %arg5: memref<32x8192xi32, #tpu.memory_space<hbm>>, %arg6: memref<128xi32, #tpu.memory_space<vmem>>, %arg7: memref<128xi32, #tpu.memory_space<vmem>>, %arg8: memref<128x32xf32, #tpu.memory_space<vmem>>, %arg9: memref<128x32xf32, #tpu.memory_space<vmem>>, %arg10: memref<8192xi32, #tpu.memory_space<vmem>>, %arg11: memref<!tpu.dma_semaphore, #tpu.memory_space<semaphore_mem>>) attributes {dimension_semantics = [#tpu.dimension_semantics<core_parallel>, #tpu.dimension_semantics<subcore_parallel>], iteration_bounds = array<i64: 2, 16>, scalar_prefetch = 0 : i64, scratch_operands = 6 : i64, tpu.core_type = #tpu.core_type<sc_vector_subcore>, window_params = [{transform_indices = #map}, {transform_indices = #map1}, {transform_indices = #map}, {transform_indices = #map}]} {
    %mul3A = arith.constant 2 : i32
    %mul3A_0 = arith.muli %arg1, %mul3A : i32
    %add3A = arith.addi %mul3A_0, %arg0 : i32
    %mul3A_1 = arith.constant 256 : i32
    %mul3A_2 = arith.muli %add3A, %mul3A_1 : i32
    "tpu.region"() ({
      %run_scoped3A = tpu.sem_alloc : memref<!tpu.dma_semaphore, #tpu.memory_space<semaphore_mem>>
      %dma_start3A_37 = tpu.memref_slice %arg3[%mul3A_2] : memref<8192xi32, #tpu.memory_space<hbm>> -> memref<128xi32, #tpu.memory_space<hbm>>
      %dma_start3A_38 = tpu.memref_slice %arg3[%mul3A_2] : memref<8192xi32, #tpu.memory_space<hbm>> -> memref<128xi32, #tpu.memory_space<hbm>>
      tpu.enqueue_dma source(%dma_start3A_38 : memref<128xi32, #tpu.memory_space<hbm>>) target(%arg6 : memref<128xi32, #tpu.memory_space<vmem>>) target_semaphore(%run_scoped3A : memref<!tpu.dma_semaphore, #tpu.memory_space<semaphore_mem>>)
      %dma_wait3A_39 = tpu.memref_slice %arg3[%mul3A_2] : memref<8192xi32, #tpu.memory_space<hbm>> -> memref<128xi32, #tpu.memory_space<hbm>>
      %dma_wait3A_40 = tpu.memref_slice %arg3[%mul3A_2] : memref<8192xi32, #tpu.memory_space<hbm>> -> memref<128xi32, #tpu.memory_space<hbm>>
      tpu.wait_dma2 semaphore(%run_scoped3A : memref<!tpu.dma_semaphore, #tpu.memory_space<semaphore_mem>>) src(%dma_wait3A_40 : memref<128xi32, #tpu.memory_space<hbm>>) dst(%arg6 : memref<128xi32, #tpu.memory_space<vmem>>)
      tpu.yield
    }) : () -> ()
    %add3A_3 = arith.constant 128 : i32
    %add3A_4 = arith.addi %mul3A_2, %add3A_3 : i32
    "tpu.region"() ({
      %run_scoped3A = tpu.sem_alloc : memref<!tpu.dma_semaphore, #tpu.memory_space<semaphore_mem>>
      %dma_start3A_37 = tpu.memref_slice %arg3[%add3A_4] : memref<8192xi32, #tpu.memory_space<hbm>> -> memref<128xi32, #tpu.memory_space<hbm>>
      %dma_start3A_38 = tpu.memref_slice %arg3[%add3A_4] : memref<8192xi32, #tpu.memory_space<hbm>> -> memref<128xi32, #tpu.memory_space<hbm>>
      tpu.enqueue_dma source(%dma_start3A_38 : memref<128xi32, #tpu.memory_space<hbm>>) target(%arg7 : memref<128xi32, #tpu.memory_space<vmem>>) target_semaphore(%run_scoped3A : memref<!tpu.dma_semaphore, #tpu.memory_space<semaphore_mem>>)
      %dma_wait3A_39 = tpu.memref_slice %arg3[%add3A_4] : memref<8192xi32, #tpu.memory_space<hbm>> -> memref<128xi32, #tpu.memory_space<hbm>>
      %dma_wait3A_40 = tpu.memref_slice %arg3[%add3A_4] : memref<8192xi32, #tpu.memory_space<hbm>> -> memref<128xi32, #tpu.memory_space<hbm>>
      tpu.wait_dma2 semaphore(%run_scoped3A : memref<!tpu.dma_semaphore, #tpu.memory_space<semaphore_mem>>) src(%dma_wait3A_40 : memref<128xi32, #tpu.memory_space<hbm>>) dst(%arg7 : memref<128xi32, #tpu.memory_space<vmem>>)
      tpu.yield
    }) : () -> ()
    %broadcast_in_dim3A = arith.constant 0 : i32
    %broadcast_in_dim3A_5 = vector.broadcast %broadcast_in_dim3A : i32 to vector<16xi32>
    %scan3A = arith.constant 0 : i32
    %scan3A_6 = arith.constant 0 : i32
    %scan3A_7 = arith.constant 512 : i32
    %scan3A_8 = arith.addi %scan3A_6, %scan3A_7 : i32
    %scan3A_9 = arith.constant 1 : i32
    scf.for %scan3A_37 = %scan3A_6 to %scan3A_8 step %scan3A_9  : i32 {
      %mul3A_38 = arith.constant 16 : i32
      %mul3A_39 = arith.muli %scan3A_37, %mul3A_38 : i32
      %swap3A = arith.index_cast %mul3A_39 : i32 to index
      %swap3A_40 = tpu.vector_load %arg10[%swap3A] {strides = array<i32>} : memref<8192xi32, #tpu.memory_space<vmem>>, vector<16xi32>,
      tpu.vector_store %arg10[%swap3A], %broadcast_in_dim3A_5 {strides = array<i32>} : memref<8192xi32, #tpu.memory_space<vmem>>, vector<16xi32>,
    }
    %scan3A_10 = arith.constant 512 : i32
    %dma_start3A = arith.constant 0 : i32
    %dma_start3A_11 = arith.constant 0 : i32
    %dma_start3A_12 = tpu.memref_slice %arg2[%dma_start3A, %dma_start3A_11] : memref<8192x32xf32, #tpu.memory_space<hbm>> -> memref<8192x32xf32, #tpu.memory_space<hbm>>
    tpu.enqueue_indirect_dma source(%dma_start3A_12 : memref<8192x32xf32, #tpu.memory_space<hbm>>) target(%arg8 : memref<128x32xf32, #tpu.memory_space<vmem>>) offsets(%arg6 : memref<128xi32, #tpu.memory_space<vmem>>) semaphore(%arg11 : memref<!tpu.dma_semaphore, #tpu.memory_space<semaphore_mem>>)
    %dma_wait3A = arith.constant 0 : i32
    %dma_wait3A_13 = arith.constant 0 : i32
    %dma_wait3A_14 = tpu.memref_slice %arg2[%dma_wait3A, %dma_wait3A_13] : memref<8192x32xf32, #tpu.memory_space<hbm>> -> memref<8192x32xf32, #tpu.memory_space<hbm>>
    tpu.wait_indirect_dma semaphore(%arg11 : memref<!tpu.dma_semaphore, #tpu.memory_space<semaphore_mem>>) src(%dma_wait3A_14 : memref<8192x32xf32, #tpu.memory_space<hbm>>) dst(%arg8 : memref<128x32xf32, #tpu.memory_space<vmem>>)
    %dma_start3A_15 = arith.constant 0 : i32
    %dma_start3A_16 = arith.constant 0 : i32
    %dma_start3A_17 = tpu.memref_slice %arg2[%dma_start3A_15, %dma_start3A_16] : memref<8192x32xf32, #tpu.memory_space<hbm>> -> memref<8192x32xf32, #tpu.memory_space<hbm>>
    tpu.enqueue_indirect_dma source(%dma_start3A_17 : memref<8192x32xf32, #tpu.memory_space<hbm>>) target(%arg9 : memref<128x32xf32, #tpu.memory_space<vmem>>) offsets(%arg7 : memref<128xi32, #tpu.memory_space<vmem>>) semaphore(%arg11 : memref<!tpu.dma_semaphore, #tpu.memory_space<semaphore_mem>>)
    %dma_wait3A_18 = arith.constant 0 : i32
    %dma_wait3A_19 = arith.constant 0 : i32
    %dma_wait3A_20 = tpu.memref_slice %arg2[%dma_wait3A_18, %dma_wait3A_19] : memref<8192x32xf32, #tpu.memory_space<hbm>> -> memref<8192x32xf32, #tpu.memory_space<hbm>>
    tpu.wait_indirect_dma semaphore(%arg11 : memref<!tpu.dma_semaphore, #tpu.memory_space<semaphore_mem>>) src(%dma_wait3A_20 : memref<8192x32xf32, #tpu.memory_space<hbm>>) dst(%arg9 : memref<128x32xf32, #tpu.memory_space<vmem>>)
    "tpu.region"() ({
      %run_scoped3A = tpu.sem_alloc : memref<!tpu.dma_semaphore, #tpu.memory_space<semaphore_mem>>
      %dma_start3A_37 = arith.constant 0 : i32
      %dma_start3A_38 = tpu.memref_slice %arg4[%mul3A_2, %dma_start3A_37] : memref<8192x32xf32, #tpu.memory_space<hbm>> -> memref<128x32xf32, #tpu.memory_space<hbm>>
      %dma_start3A_39 = arith.constant 0 : i32
      %dma_start3A_40 = tpu.memref_slice %arg4[%mul3A_2, %dma_start3A_39] : memref<8192x32xf32, #tpu.memory_space<hbm>> -> memref<128x32xf32, #tpu.memory_space<hbm>>
      tpu.enqueue_dma source(%arg8 : memref<128x32xf32, #tpu.memory_space<vmem>>) target(%dma_start3A_40 : memref<128x32xf32, #tpu.memory_space<hbm>>) target_semaphore(%run_scoped3A : memref<!tpu.dma_semaphore, #tpu.memory_space<semaphore_mem>>)
      %dma_wait3A_41 = arith.constant 0 : i32
      %dma_wait3A_42 = tpu.memref_slice %arg4[%mul3A_2, %dma_wait3A_41] : memref<8192x32xf32, #tpu.memory_space<hbm>> -> memref<128x32xf32, #tpu.memory_space<hbm>>
      %dma_wait3A_43 = arith.constant 0 : i32
      %dma_wait3A_44 = tpu.memref_slice %arg4[%mul3A_2, %dma_wait3A_43] : memref<8192x32xf32, #tpu.memory_space<hbm>> -> memref<128x32xf32, #tpu.memory_space<hbm>>
      tpu.wait_dma2 semaphore(%run_scoped3A : memref<!tpu.dma_semaphore, #tpu.memory_space<semaphore_mem>>) src(%arg8 : memref<128x32xf32, #tpu.memory_space<vmem>>) dst(%dma_wait3A_44 : memref<128x32xf32, #tpu.memory_space<hbm>>)
      tpu.yield
    }) : () -> ()
    %add3A_21 = arith.constant 128 : i32
    %add3A_22 = arith.addi %mul3A_2, %add3A_21 : i32
    "tpu.region"() ({
      %run_scoped3A = tpu.sem_alloc : memref<!tpu.dma_semaphore, #tpu.memory_space<semaphore_mem>>
      %dma_start3A_37 = arith.constant 0 : i32
      %dma_start3A_38 = tpu.memref_slice %arg4[%add3A_22, %dma_start3A_37] : memref<8192x32xf32, #tpu.memory_space<hbm>> -> memref<128x32xf32, #tpu.memory_space<hbm>>
      %dma_start3A_39 = arith.constant 0 : i32
      %dma_start3A_40 = tpu.memref_slice %arg4[%add3A_22, %dma_start3A_39] : memref<8192x32xf32, #tpu.memory_space<hbm>> -> memref<128x32xf32, #tpu.memory_space<hbm>>
      tpu.enqueue_dma source(%arg9 : memref<128x32xf32, #tpu.memory_space<vmem>>) target(%dma_start3A_40 : memref<128x32xf32, #tpu.memory_space<hbm>>) target_semaphore(%run_scoped3A : memref<!tpu.dma_semaphore, #tpu.memory_space<semaphore_mem>>)
      %dma_wait3A_41 = arith.constant 0 : i32
      %dma_wait3A_42 = tpu.memref_slice %arg4[%add3A_22, %dma_wait3A_41] : memref<8192x32xf32, #tpu.memory_space<hbm>> -> memref<128x32xf32, #tpu.memory_space<hbm>>
      %dma_wait3A_43 = arith.constant 0 : i32
      %dma_wait3A_44 = tpu.memref_slice %arg4[%add3A_22, %dma_wait3A_43] : memref<8192x32xf32, #tpu.memory_space<hbm>> -> memref<128x32xf32, #tpu.memory_space<hbm>>
      tpu.wait_dma2 semaphore(%run_scoped3A : memref<!tpu.dma_semaphore, #tpu.memory_space<semaphore_mem>>) src(%arg9 : memref<128x32xf32, #tpu.memory_space<vmem>>) dst(%dma_wait3A_44 : memref<128x32xf32, #tpu.memory_space<hbm>>)
      tpu.yield
    }) : () -> ()
    %broadcast_in_dim3A_23 = arith.constant 1 : i32
    %broadcast_in_dim3A_24 = vector.broadcast %broadcast_in_dim3A_23 : i32 to vector<16xi32>
    %scan3A_25 = arith.constant 0 : i32
    %scan3A_26 = arith.constant 0 : i32
    %scan3A_27 = arith.constant 8 : i32
    %scan3A_28 = arith.addi %scan3A_26, %scan3A_27 : i32
    %scan3A_29 = arith.constant 1 : i32
    scf.for %scan3A_37 = %scan3A_26 to %scan3A_28 step %scan3A_29  : i32 {
      %mul3A_38 = arith.constant 16 : i32
      %mul3A_39 = arith.muli %scan3A_37, %mul3A_38 : i32
      %get3A = arith.index_cast %mul3A_39 : i32 to index
      %get3A_40 = tpu.vector_load %arg6[%get3A] {strides = array<i32>} : memref<128xi32, #tpu.memory_space<vmem>>, vector<16xi32>,
      tpu.vector_store_idx %arg10[%get3A_40], %broadcast_in_dim3A_24 {add = true} : memref<8192xi32, #tpu.memory_space<vmem>>[vector<16xi32>], vector<16xi32>,
    }
    %scan3A_30 = arith.constant 8 : i32
    %scan3A_31 = arith.constant 0 : i32
    %scan3A_32 = arith.constant 0 : i32
    %scan3A_33 = arith.constant 8 : i32
    %scan3A_34 = arith.addi %scan3A_32, %scan3A_33 : i32
    %scan3A_35 = arith.constant 1 : i32
    scf.for %scan3A_37 = %scan3A_32 to %scan3A_34 step %scan3A_35  : i32 {
      %mul3A_38 = arith.constant 16 : i32
      %mul3A_39 = arith.muli %scan3A_37, %mul3A_38 : i32
      %get3A = arith.index_cast %mul3A_39 : i32 to index
      %get3A_40 = tpu.vector_load %arg7[%get3A] {strides = array<i32>} : memref<128xi32, #tpu.memory_space<vmem>>, vector<16xi32>,
      tpu.vector_store_idx %arg10[%get3A_40], %broadcast_in_dim3A_24 {add = true} : memref<8192xi32, #tpu.memory_space<vmem>>[vector<16xi32>], vector<16xi32>,
    }
    %scan3A_36 = arith.constant 8 : i32
    "tpu.region"() ({
      %run_scoped3A = tpu.sem_alloc : memref<!tpu.dma_semaphore, #tpu.memory_space<semaphore_mem>>
      %dma_start3A_37 = arith.constant 0 : i32
      %dma_start3A_38 = tpu.memref_slice %arg5[%add3A, %dma_start3A_37] : memref<32x8192xi32, #tpu.memory_space<hbm>> -> memref<1x8192xi32, #tpu.memory_space<hbm>>
      %dma_start3A_39 = tpu.memref_squeeze %dma_start3A_38 : memref<1x8192xi32, #tpu.memory_space<hbm>> -> memref<8192xi32, #tpu.memory_space<hbm>>
      %dma_start3A_40 = arith.constant 0 : i32
      %dma_start3A_41 = tpu.memref_slice %arg5[%add3A, %dma_start3A_40] : memref<32x8192xi32, #tpu.memory_space<hbm>> -> memref<1x8192xi32, #tpu.memory_space<hbm>>
      %dma_start3A_42 = tpu.memref_squeeze %dma_start3A_41 : memref<1x8192xi32, #tpu.memory_space<hbm>> -> memref<8192xi32, #tpu.memory_space<hbm>>
      tpu.enqueue_dma source(%arg10 : memref<8192xi32, #tpu.memory_space<vmem>>) target(%dma_start3A_42 : memref<8192xi32, #tpu.memory_space<hbm>>) target_semaphore(%run_scoped3A : memref<!tpu.dma_semaphore, #tpu.memory_space<semaphore_mem>>)
      %dma_wait3A_43 = arith.constant 0 : i32
      %dma_wait3A_44 = tpu.memref_slice %arg5[%add3A, %dma_wait3A_43] : memref<32x8192xi32, #tpu.memory_space<hbm>> -> memref<1x8192xi32, #tpu.memory_space<hbm>>
      %dma_wait3A_45 = tpu.memref_squeeze %dma_wait3A_44 : memref<1x8192xi32, #tpu.memory_space<hbm>> -> memref<8192xi32, #tpu.memory_space<hbm>>
      %dma_wait3A_46 = arith.constant 0 : i32
      %dma_wait3A_47 = tpu.memref_slice %arg5[%add3A, %dma_wait3A_46] : memref<32x8192xi32, #tpu.memory_space<hbm>> -> memref<1x8192xi32, #tpu.memory_space<hbm>>
      %dma_wait3A_48 = tpu.memref_squeeze %dma_wait3A_47 : memref<1x8192xi32, #tpu.memory_space<hbm>> -> memref<8192xi32, #tpu.memory_space<hbm>>
      tpu.wait_dma2 semaphore(%run_scoped3A : memref<!tpu.dma_semaphore, #tpu.memory_space<semaphore_mem>>) src(%arg10 : memref<8192xi32, #tpu.memory_space<vmem>>) dst(%dma_wait3A_48 : memref<8192xi32, #tpu.memory_space<hbm>>)
      tpu.yield
    }) : () -> ()
    return
  }
}

module attributes {stable_mosaic.version = 14 : i64} {
  func.func @_argmin_body(%arg0: i32, %arg1: memref<128x32xf32, #tpu.memory_space<vmem>>, %arg2: memref<8192x32xbf16, #tpu.memory_space<vmem>>, %arg3: memref<8192x32xbf16, #tpu.memory_space<vmem>>, %arg4: memref<128x1xf32, #tpu.memory_space<vmem>>, %arg5: memref<1x8192xf32, #tpu.memory_space<vmem>>, %arg6: memref<1x1x128xi32, #tpu.memory_space<vmem>>) attributes {dimension_semantics = [#tpu.dimension_semantics<arbitrary>], iteration_bounds = array<i64: 64>, scalar_prefetch = 0 : i64, scratch_operands = 0 : i64, tpu.core_type = #tpu.core_type<tc>, window_params = [{transform_indices = @transform_0, window_bounds = array<i64: 128, 32>}, {pipeline_mode = #tpu.pipeline_mode<synchronous>, transform_indices = @transform_1, window_bounds = array<i64: 8192, 32>}, {pipeline_mode = #tpu.pipeline_mode<synchronous>, transform_indices = @transform_2, window_bounds = array<i64: 8192, 32>}, {transform_indices = @transform_3, window_bounds = array<i64: 128, 1>}, {pipeline_mode = #tpu.pipeline_mode<synchronous>, transform_indices = @transform_4, window_bounds = array<i64: 1, 8192>}, {transform_indices = @transform_5, window_bounds = array<i64: 1, 1, 128>}]} {
    %get3A = arith.constant 0 : index
    %get3A_0 = arith.constant 0 : index
    %get3A_1 = vector.load %arg1[%get3A, %get3A_0] : memref<128x32xf32, #tpu.memory_space<vmem>>, vector<128x32xf32>
    %get3A_2 = arith.constant 0 : index
    %get3A_3 = arith.constant 0 : index
    %get3A_4 = vector.load %arg2[%get3A_2, %get3A_3] : memref<8192x32xbf16, #tpu.memory_space<vmem>>, vector<8192x32xbf16>
    %get3A_5 = arith.constant 0 : index
    %get3A_6 = arith.constant 0 : index
    %get3A_7 = vector.load %arg3[%get3A_5, %get3A_6] : memref<8192x32xbf16, #tpu.memory_space<vmem>>, vector<8192x32xbf16>
    %get3A_8 = arith.constant 0 : index
    %get3A_9 = arith.constant 0 : index
    %get3A_10 = vector.load %arg4[%get3A_8, %get3A_9] : memref<128x1xf32, #tpu.memory_space<vmem>>, vector<128x1xf32>
    %get3A_11 = arith.constant 0 : index
    %get3A_12 = arith.constant 0 : index
    %get3A_13 = vector.load %arg5[%get3A_11, %get3A_12] : memref<1x8192xf32, #tpu.memory_space<vmem>>, vector<1x8192xf32>
    %mul3A = arith.constant 2.000000e+00 : f32
    %mul3A_14 = vector.broadcast %mul3A : f32 to vector<128x32xf32>
    %mul3A_15 = arith.mulf %mul3A_14, %get3A_1 : vector<128x32xf32>
    %convert_element_type3A = arith.truncf %mul3A_15 : vector<128x32xf32> to vector<128x32xbf16>
    %dot_general3A = arith.constant dense<0.000000e+00> : vector<128x8192xf32>
    %dot_general3A_16 = tpu.matmul %convert_element_type3A, %get3A_4, %dot_general3A {dimension_numbers = #tpu.dot_dimension_numbers<[1], [1], [0], [0], [0, 0, 1, 0], [], []>, transpose_lhs_hint = false} : vector<128x32xbf16>, vector<8192x32xbf16>, vector<128x8192xf32> -> vector<128x8192xf32>
    %dot_general3A_17 = arith.constant dense<0.000000e+00> : vector<128x8192xf32>
    %dot_general3A_18 = tpu.matmul %convert_element_type3A, %get3A_7, %dot_general3A_17 {dimension_numbers = #tpu.dot_dimension_numbers<[1], [1], [0], [0], [0, 0, 1, 0], [], []>, transpose_lhs_hint = false} : vector<128x32xbf16>, vector<8192x32xbf16>, vector<128x8192xf32> -> vector<128x8192xf32>
    %add3A = arith.addf %dot_general3A_16, %dot_general3A_18 : vector<128x8192xf32>
    %sub3A = vector.broadcast %get3A_10 : vector<128x1xf32> to vector<128x8192xf32>
    %sub3A_19 = arith.subf %sub3A, %add3A : vector<128x8192xf32>
    %add3A_20 = vector.broadcast %get3A_13 : vector<1x8192xf32> to vector<128x8192xf32>
    %add3A_21 = arith.addf %sub3A_19, %add3A_20 : vector<128x8192xf32>
    %reduce_min3A = arith.constant dense<0x7F800000> : vector<128xf32>
    %reduce_min3A_22 = vector.multi_reduction <minimumf>, %add3A_21, %reduce_min3A [1] : vector<128x8192xf32> to vector<128xf32>
    %broadcast_in_dim3A = vector.shape_cast %reduce_min3A_22 : vector<128xf32> to vector<128x1xf32>
    %iota3A = tpu.iota {dimensions = array<i32: 1>} : vector<128x8192xi32>
    %eq3A = vector.broadcast %broadcast_in_dim3A : vector<128x1xf32> to vector<128x8192xf32>
    %eq3A_23 = arith.cmpf oeq, %add3A_21, %eq3A : vector<128x8192xf32>
    %jit3A = arith.constant 1073741824 : i32
    %broadcast_in_dim3A_24 = vector.broadcast %jit3A : i32 to vector<128x8192xi32>
    %select_n3A = arith.select %eq3A_23, %iota3A, %broadcast_in_dim3A_24 : vector<128x8192xi1>, vector<128x8192xi32>
    %reduce_min3A_25 = arith.constant dense<2147483647> : vector<128xi32>
    %reduce_min3A_26 = vector.multi_reduction <minsi>, %select_n3A, %reduce_min3A_25 [1] : vector<128x8192xi32> to vector<128xi32>
    %swap3A = arith.constant 0 : index
    %swap3A_27 = arith.constant 0 : index
    %swap3A_28 = arith.constant 0 : index
    %swap3A_29 = vector.load %arg6[%swap3A, %swap3A_27, %swap3A_28] : memref<1x1x128xi32, #tpu.memory_space<vmem>>, vector<1x1x128xi32>
    %swap3A_30 = vector.shape_cast %swap3A_29 : vector<1x1x128xi32> to vector<128xi32>
    %swap3A_31 = vector.shape_cast %reduce_min3A_26 : vector<128xi32> to vector<1x1x128xi32>
    tpu.vector_store %arg6[%swap3A, %swap3A_27, %swap3A_28], %swap3A_31 {strides = array<i32>} : memref<1x1x128xi32, #tpu.memory_space<vmem>>, vector<1x1x128xi32>,
    return
  }
  func.func @transform_0(%arg0: i32) -> (i32, i32) {
    %c0_i32 = arith.constant 0 : i32
    %c0_i32_0 = arith.constant 0 : i32
    return %arg0, %c0_i32 : i32, i32
  }
  func.func @transform_1(%arg0: i32) -> (i32, i32) {
    %c0_i32 = arith.constant 0 : i32
    %c0_i32_0 = arith.constant 0 : i32
    %c0_i32_1 = arith.constant 0 : i32
    return %c0_i32, %c0_i32_0 : i32, i32
  }
  func.func @transform_2(%arg0: i32) -> (i32, i32) {
    %c0_i32 = arith.constant 0 : i32
    %c0_i32_0 = arith.constant 0 : i32
    %c0_i32_1 = arith.constant 0 : i32
    return %c0_i32, %c0_i32_0 : i32, i32
  }
  func.func @transform_3(%arg0: i32) -> (i32, i32) {
    %c0_i32 = arith.constant 0 : i32
    %c0_i32_0 = arith.constant 0 : i32
    return %arg0, %c0_i32 : i32, i32
  }
  func.func @transform_4(%arg0: i32) -> (i32, i32) {
    %c0_i32 = arith.constant 0 : i32
    %c0_i32_0 = arith.constant 0 : i32
    %c0_i32_1 = arith.constant 0 : i32
    return %c0_i32, %c0_i32_0 : i32, i32
  }
  func.func @transform_5(%arg0: i32) -> (i32, i32, i32) {
    %c0_i32 = arith.constant 0 : i32
    %c0_i32_0 = arith.constant 0 : i32
    %c0_i32_1 = arith.constant 0 : i32
    return %arg0, %c0_i32, %c0_i32_0 : i32, i32, i32
  }
}

module attributes {stable_mosaic.version = 14 : i64} {
  func.func @_final_body(%arg0: memref<8192x32xf32, #tpu.memory_space<vmem>>, %arg1: memref<8192x32xf32, #tpu.memory_space<vmem>>, %arg2: memref<32x8192xi32, #tpu.memory_space<vmem>>, %arg3: memref<8192x32xf32, #tpu.memory_space<vmem>>, %arg4: memref<1x1xf32, #tpu.memory_space<vmem>>, %arg5: memref<1x1xf32, #tpu.memory_space<vmem>>, %arg6: memref<1x1xi32, #tpu.memory_space<vmem>>, %arg7: memref<1x1xf32, #tpu.memory_space<vmem>>) attributes {dimension_semantics = [], scalar_prefetch = 0 : i64, scratch_operands = 0 : i64, tpu.core_type = #tpu.core_type<tc>} {
    %get3A = arith.constant 0 : index
    %get3A_0 = arith.constant 0 : index
    %get3A_1 = vector.load %arg0[%get3A, %get3A_0] : memref<8192x32xf32, #tpu.memory_space<vmem>>, vector<8192x32xf32>
    %get3A_2 = arith.constant 0 : index
    %get3A_3 = arith.constant 0 : index
    %get3A_4 = vector.load %arg1[%get3A_2, %get3A_3] : memref<8192x32xf32, #tpu.memory_space<vmem>>, vector<8192x32xf32>
    %sub3A = arith.subf %get3A_4, %get3A_1 : vector<8192x32xf32>
    %add3A = arith.addf %sub3A, %get3A_1 : vector<8192x32xf32>
    %swap3A = arith.constant 0 : index
    %swap3A_5 = arith.constant 0 : index
    %swap3A_6 = vector.load %arg3[%swap3A, %swap3A_5] : memref<8192x32xf32, #tpu.memory_space<vmem>>, vector<8192x32xf32>
    tpu.vector_store %arg3[%swap3A, %swap3A_5], %add3A {strides = array<i32>} : memref<8192x32xf32, #tpu.memory_space<vmem>>, vector<8192x32xf32>,
    %mul3A = arith.mulf %sub3A, %sub3A : vector<8192x32xf32>
    %reduce_sum3A = vector.shape_cast %mul3A : vector<8192x32xf32> to vector<1x8192x32xf32>
    %reduce_sum3A_7 = arith.constant dense<0.000000e+00> : vector<1xf32>
    %reduce_sum3A_8 = vector.multi_reduction <add>, %reduce_sum3A, %reduce_sum3A_7 [1, 2] : vector<1x8192x32xf32> to vector<1xf32>
    %reduce_sum3A_9 = vector.shape_cast %reduce_sum3A_8 : vector<1xf32> to vector<1x1x1xf32>
    %reduce_sum3A_10 = vector.extract %reduce_sum3A_9[0, 0, 0] : f32 from vector<1x1x1xf32>
    %div3A = arith.constant 2.621440e+05 : f32
    %div3A_11 = arith.divf %reduce_sum3A_10, %div3A : f32
    %min3A = arith.constant 1.000000e+01 : f32
    %min3A_12 = arith.minimumf %div3A_11, %min3A : f32
    %mul3A_13 = arith.constant 2.500000e-01 : f32
    %mul3A_14 = arith.mulf %min3A_12, %mul3A_13 : f32
    %reshape3A = vector.broadcast %mul3A_14 : f32 to vector<1x1xf32>
    %swap3A_15 = arith.constant 0 : index
    %swap3A_16 = arith.constant 0 : index
    %swap3A_17 = vector.load %arg4[%swap3A_15, %swap3A_16] : memref<1x1xf32, #tpu.memory_space<vmem>>, vector<1x1xf32>
    tpu.vector_store %arg4[%swap3A_15, %swap3A_16], %reshape3A {strides = array<i32>} : memref<1x1xf32, #tpu.memory_space<vmem>>, vector<1x1xf32>,
    %get3A_18 = arith.constant 0 : index
    %get3A_19 = arith.constant 0 : index
    %get3A_20 = vector.load %arg2[%get3A_18, %get3A_19] : memref<32x8192xi32, #tpu.memory_space<vmem>>, vector<32x8192xi32>
    %reduce_sum3A_21 = arith.constant dense<0> : vector<8192xi32>
    %reduce_sum3A_22 = vector.multi_reduction <add>, %get3A_20, %reduce_sum3A_21 [0] : vector<32x8192xi32> to vector<8192xi32>
    %broadcast_in_dim3A = vector.shape_cast %reduce_sum3A_22 : vector<8192xi32> to vector<1x8192xi32>
    %convert_element_type3A = arith.sitofp %broadcast_in_dim3A : vector<1x8192xi32> to vector<1x8192xf32>
    %mul3A_23 = arith.constant 1.22070313E-4 : f32
    %mul3A_24 = vector.broadcast %mul3A_23 : f32 to vector<1x8192xf32>
    %mul3A_25 = arith.mulf %convert_element_type3A, %mul3A_24 : vector<1x8192xf32>
    %add3A_26 = arith.constant 1.000000e-07 : f32
    %add3A_27 = vector.broadcast %add3A_26 : f32 to vector<1x8192xf32>
    %add3A_28 = arith.addf %mul3A_25, %add3A_27 : vector<1x8192xf32>
    %log3A = math.log %add3A_28 : vector<1x8192xf32>
    %mul3A_29 = arith.mulf %mul3A_25, %log3A : vector<1x8192xf32>
    %reduce_sum3A_30 = vector.shape_cast %mul3A_29 : vector<1x8192xf32> to vector<1x1x8192xf32>
    %reduce_sum3A_31 = arith.constant dense<0.000000e+00> : vector<1xf32>
    %reduce_sum3A_32 = vector.multi_reduction <add>, %reduce_sum3A_30, %reduce_sum3A_31 [1, 2] : vector<1x1x8192xf32> to vector<1xf32>
    %reduce_sum3A_33 = vector.shape_cast %reduce_sum3A_32 : vector<1xf32> to vector<1x1x1xf32>
    %reduce_sum3A_34 = vector.extract %reduce_sum3A_33[0, 0, 0] : f32 from vector<1x1x1xf32>
    %neg3A = arith.constant 0.000000e+00 : f32
    %neg3A_35 = arith.subf %neg3A, %reduce_sum3A_34 : f32
    %exp3A = math.exp %neg3A_35 : f32
    %reshape3A_36 = vector.broadcast %exp3A : f32 to vector<1x1xf32>
    %swap3A_37 = arith.constant 0 : index
    %swap3A_38 = arith.constant 0 : index
    %swap3A_39 = vector.load %arg5[%swap3A_37, %swap3A_38] : memref<1x1xf32, #tpu.memory_space<vmem>>, vector<1x1xf32>
    tpu.vector_store %arg5[%swap3A_37, %swap3A_38], %reshape3A_36 {strides = array<i32>} : memref<1x1xf32, #tpu.memory_space<vmem>>, vector<1x1xf32>,
    %gt3A = arith.constant 0 : i32
    %gt3A_40 = vector.broadcast %gt3A : i32 to vector<1x8192xi32>
    %gt3A_41 = arith.cmpi sgt, %broadcast_in_dim3A, %gt3A_40 : vector<1x8192xi32>
    %convert_element_type3A_42 = arith.extui %gt3A_41 : vector<1x8192xi1> to vector<1x8192xi32>
    %reduce_sum3A_43 = vector.shape_cast %convert_element_type3A_42 : vector<1x8192xi32> to vector<1x1x8192xi32>
    %reduce_sum3A_44 = arith.constant dense<0> : vector<1xi32>
    %reduce_sum3A_45 = vector.multi_reduction <add>, %reduce_sum3A_43, %reduce_sum3A_44 [1, 2] : vector<1x1x8192xi32> to vector<1xi32>
    %reduce_sum3A_46 = vector.shape_cast %reduce_sum3A_45 : vector<1xi32> to vector<1x1x1xi32>
    %reduce_sum3A_47 = vector.extract %reduce_sum3A_46[0, 0, 0] : i32 from vector<1x1x1xi32>
    %reshape3A_48 = vector.broadcast %reduce_sum3A_47 : i32 to vector<1x1xi32>
    %swap3A_49 = arith.constant 0 : index
    %swap3A_50 = arith.constant 0 : index
    %swap3A_51 = vector.load %arg6[%swap3A_49, %swap3A_50] : memref<1x1xi32, #tpu.memory_space<vmem>>, vector<1x1xi32>
    tpu.vector_store %arg6[%swap3A_49, %swap3A_50], %reshape3A_48 {strides = array<i32>} : memref<1x1xi32, #tpu.memory_space<vmem>>, vector<1x1xi32>,
    %convert_element_type3A_52 = arith.sitofp %reduce_sum3A_47 : i32 to f32
    %div3A_53 = arith.constant 8.192000e+03 : f32
    %div3A_54 = arith.divf %convert_element_type3A_52, %div3A_53 : f32
    %reshape3A_55 = vector.broadcast %div3A_54 : f32 to vector<1x1xf32>
    %swap3A_56 = arith.constant 0 : index
    %swap3A_57 = arith.constant 0 : index
    %swap3A_58 = vector.load %arg7[%swap3A_56, %swap3A_57] : memref<1x1xf32, #tpu.memory_space<vmem>>, vector<1x1xf32>
    tpu.vector_store %arg7[%swap3A_56, %swap3A_57], %reshape3A_55 {strides = array<i32>} : memref<1x1xf32, #tpu.memory_space<vmem>>, vector<1x1xf32>,
    return
  }
}

</mosaic_0001>

<sc_bundles>
// kernel: kernel.5.cloned.1.call-start
scs
__scs_entry_jumppad:
0x0: {  	(pc) =	sbr.rel $0x88, $3  }
0x1: {  	(tag) =	ssettag $0x0;
	lr =	simm.s32 $0x1  }
0x2: {  	[smem:$0x3F9F] =	sst lr;
	_ =	strace $0xD0000000  }
0x3: {  	_ = 	snop  }
0x4: {  	_ = 	snop  }
0x5: {  	_ = 	snop  }
0x6: {  	_ = 	snop  }
0x7: {  	_ = 	snop  }
__scs_overlays_trampoline_lowered:
0x8: {  	[smem:$0x3FAE] =	sst s0  }
0x9: {  	[smem:$0x3FAF] =	sst s1  }
0xa: {  	[smem:$0x3FB0] =	sst s2  }
0xb: {  	[smem:$0x3FB1] =	sst s3  }
0xc: {  	[smem:$0x3FB2] =	sst s4  }
0xd: {  	[smem:$0x3FB3] =	sst s5  }
0xe: {  	[smem:$0x3FB4] =	sst s6  }
0xf: {  	[smem:$0x3FB5] =	sst s7  }
0x10: {  	[smem:$0x3FB6] =	sst s8  }
0x11: {  	[smem:$0x3FB7] =	sst s9;
	s0 =	simm.s32 @!p0 $0x0  }
0x12: {  	s1 =	sld [smem:$0x3F9D];
	s0 =	simm.s32 @p0 $0x1  }
0x13: {  	[smem:$0x3FB8] =	sst s0;
	s0 =	simm.s32 @!p1 $0x0  }
0x14: {  	s2 =	sld [smem:$0x3F9C];
	s0 =	simm.s32 @p1 $0x1  }
0x15: {  	[smem:$0x3FB9] =	sst s0;
	s0 =	simm.s32 @!p2 $0x0  }
0x16: {  	s3 =	sld [smem:$0x3FDB];
	s0 =	simm.s32 @p2 $0x1  }
0x17: {  	s4 =	simm.s32 $0x1BF5;
	[smem:$0x3FBB] =	sst s0  }
0x18: {  	s0 =	sld [smem:$0x3F9E];
	_ =	swait.ge [sflag:s4], $0x0  }
0x19: {  	s7 =	sld [smem:$0x3F9F]  }
0x1a: {  	s8 =	sadd.s32 $0xFFFFE003, lr  }
0x1b: {  	s9 =	sadd.s32 $0xFFFFFEF7, lr;
	s5 =	simm.s32 $0xFFFFFFFF;
	p2 =	slt.u32 s8, $0xFFFFF086  }
0x1c: {  	p1 =	slt.u32 s9, $0xF7A;
	s5 =	simm.s32 @!p2 $0x0  }
0x1d: {  	s5 =	simm.s32 @p1 $0x1;
	p0 =	seq.s32 s7, s2  }
0x1e: {  	s7 =	smul.u32 @!p0 $0xF7A, s2;
	p2 =	seq.s32 @!p0 s5, $0x0  }
0x1f: {  	s9 =	smul.u32 $0xF7A, s1;
	s8 =	simm.s32 @!p0 $0x1BF5;
	p2 =	por !p2, p0  }
0x20: {  	[sflag:s8] =	ssyncset.s32 @!p0 $0xFFFFF086;
	s6 =	sadd.s32 @!p0 s3, s7;
	s7 =	simm.s32 @!p0 $0x108  }
0x21: {  	s3 =	sadd.s32 s3, s9;
	s6 =	sadd.s32 @!p0 $0x88, s6;
	s7 =	simm.s32 @p2 $0x1082  }
0x22: {  	[simem:s7], [sflag:s8] =	dma.local @!p0 [hbm:s6], $0xF7A  }
0x23: {  	s9 =	sor.u32 $0xD0000000, s2;
	s6 =	simm.s32 $0x108;
	_ =	swait.ge @!p0 [sflag:s8], $0x0  }
0x24: {  	s3 =	sadd.s32 $0x88, s3;
	s6 =	simm.s32 @!p1 $0x1082;
	[sflag:s4] =	ssyncset.s32 $0xFFFFF086  }
0x25: {  	[simem:s6], [sflag:s4] =	dma.local [hbm:s3], $0xF7A  }
0x26: {  	[smem:$0x3F9F] =	sst s1;
	(tag) =	ssettag s2;
	_ =	strace s9  }
0x27: {  	s1 =	sld [smem:$0x3FAF]  }
0x28: {  	s2 =	sld [smem:$0x3FB0]  }
0x29: {  	s4 =	sld [smem:$0x3FB2]  }
0x2a: {  	p0 =	seq.s32 s5, $0x0;
	s5 =	sld [smem:$0x3FB3]  }
0x2b: {  	s6 =	sld [smem:$0x3FB4]  }
0x2c: {  	s7 =	sld [smem:$0x3FB5]  }
0x2d: {  	s3 =	simm.s32 $0x108;
	s8 =	sld [smem:$0x3FB6]  }
0x2e: {  	s3 =	simm.s32 @!p0 $0x1082;
	s9 =	sld [smem:$0x3FB7]  }
0x2f: {  	lr =	sadd.s32 s0, s3;
	s0 =	sld [smem:$0x3FAE]  }
0x30: {  	s3 =	sld [smem:$0x3FB1]  }
0x31: {  	[smem:$0x3FBA] =	sst s10  }
0x32: {  	s10 =	sld [smem:$0x3FB8];
	_ =	sdelay $0x3  }
0x33: {  	p0 =	seq.s32 s10, $0x1;
	s10 =	sld [smem:$0x3FBA];
	_ =	sdelay $0x3  }
0x34: {  	[smem:$0x3FBA] =	sst s10  }
0x35: {  	s10 =	sld [smem:$0x3FB9];
	_ =	sdelay $0x3  }
0x36: {  	p1 =	seq.s32 s10, $0x1;
	s10 =	sld [smem:$0x3FBA];
	_ =	sdelay $0x3  }
0x37: {  	[smem:$0x3FBA] =	sst s10  }
0x38: {  	s10 =	sld [smem:$0x3FBB]  }
0x39: {  	_ = 	snop;
	(pc) =	sbr.ind lr, $3  }
0x3a: {  	_ = 	snop  }
0x3b: {  	_ = 	snop  }
0x3c: {  	p2 =	seq.s32 s10, $0x1;
	s10 =	sld [smem:$0x3FBA]  }
0x3d: {  	_ =	shalt  }
0x3e: {  	_ =	shalt  }
0x3f: {  	_ =	shalt  }
0x40: {  	_ =	shalt  }
0x41: {  	_ =	shalt  }
0x42: {  	_ =	shalt  }
0x43: {  	_ =	shalt  }
0x44: {  	_ =	shalt  }
0x45: {  	_ =	shalt  }
0x46: {  	_ =	shalt  }
0x47: {  	_ =	shalt  }
0x48: {  	_ =	shalt  }
0x49: {  	_ =	shalt  }
0x4a: {  	_ =	shalt  }
0x4b: {  	_ =	shalt  }
0x4c: {  	_ =	shalt  }
0x4d: {  	_ =	shalt  }
0x4e: {  	_ =	shalt  }
0x4f: {  	_ =	shalt  }
0x50: {  	_ =	shalt  }
0x51: {  	_ =	shalt  }
0x52: {  	_ =	shalt  }
0x53: {  	_ =	shalt  }
0x54: {  	_ =	shalt  }
0x55: {  	_ =	shalt  }
0x56: {  	_ =	shalt  }
0x57: {  	_ =	shalt  }
0x58: {  	_ =	shalt  }
0x59: {  	_ =	shalt  }
0x5a: {  	_ =	shalt  }
0x5b: {  	_ =	shalt  }
0x5c: {  	_ =	shalt  }
0x5d: {  	_ =	shalt  }
0x5e: {  	_ =	shalt  }
0x5f: {  	_ =	shalt  }
0x60: {  	_ =	shalt  }
0x61: {  	_ =	shalt  }
0x62: {  	_ =	shalt  }
0x63: {  	_ =	shalt  }
0x64: {  	_ =	shalt  }
0x65: {  	_ =	shalt  }
0x66: {  	_ =	shalt  }
0x67: {  	_ =	shalt  }
0x68: {  	_ =	shalt  }
0x69: {  	_ =	shalt  }
0x6a: {  	_ =	shalt  }
0x6b: {  	_ =	shalt  }
0x6c: {  	_ =	shalt  }
0x6d: {  	_ =	shalt  }
0x6e: {  	_ =	shalt  }
0x6f: {  	_ =	shalt  }
0x70: {  	_ =	shalt  }
0x71: {  	_ =	shalt  }
0x72: {  	_ =	shalt  }
0x73: {  	_ =	shalt  }
0x74: {  	_ =	shalt  }
0x75: {  	_ =	shalt  }
0x76: {  	_ =	shalt  }
0x77: {  	_ =	shalt  }
0x78: {  	_ =	shalt  }
0x79: {  	_ =	shalt  }
0x7a: {  	_ =	shalt  }
0x7b: {  	_ =	shalt  }
0x7c: {  	_ =	shalt  }
0x7d: {  	_ =	shalt  }
0x7e: {  	_ =	shalt  }
0x7f: {  	_ =	shalt  }
0x80: {  	_ =	shalt  }
0x81: {  	_ =	shalt  }
0x82: {  	_ =	shalt  }
0x83: {  	_ =	shalt  }
0x84: {  	_ =	shalt  }
0x85: {  	_ =	shalt  }
0x86: {  	_ =	shalt  }
0x87: {  	_ =	shalt  }
.Lfunc_end0:
.L_simem_size_0:
called_computation_lowered:
.L_overlay_start_0:
0x88: {  	s2 =	sld [smem:$0x3FD9]  }
0x89: {  	s3 =	sld [smem:$0x3FFE];
	_ =	sdelay $0x1  }
0x8a: {  	s1 =	srdreg.scid  }
0x8b: {  	s0 =	sand.u32 $0x1, s1  }
0x8c: {  	s14 =	sshll.u32 s0, $0xA;
	s2 =	sadd.s32 s3, s2  }
0x8d: {  	s2 =	sadd.s32 s2, s14  }
0x8e: {  	[smem:$0x3FC6] =	sst s2  }
0x8f: {  	_ = 	snop  }
0x90: {  	s2 =	sld [smem:$0x3FD0];
	_ =	sdelay $0x2  }
0x91: {  	s15 =	simm.s32 $0xA;
	s4 =	simm.s32 $0x10  }
0x92: {  	[smem:s4], [sflag:s15] =	dma.local [hbm:s2], $0x1  }
0x93: {  	_ =	swait.eq [sflag:s15], $0x1  }
0x94: {  	[sflag:s15] =	ssyncset.done $0x0  }
0x95: {  	[sflag:s15] =	ssyncadd.s32 $0xFFFFFFFF  }
0x96: {  	s16 =	sld [smem:$0x10];
	(tm) =	ssettm $0x1  }
0x97: {  	s17 =	sld [smem:$0x3FFB];
	_ =	sdelay $0x3  }
0x98: {  	_ =	strace s17  }
0x99: {  	s3 =	sld [smem:$0x3FFC];
	_ =	sdelay $0x3  }
0x9a: {  	_ =	strace s3  }
0x9b: {  	s3 =	sld [smem:$0x3FFD];
	_ =	sdelay $0x3  }
0x9c: {  	_ =	strace s3  }
0x9d: {  	_ =	strace $0x8FFFFFFF  }
0x9e: {  	s18 =	sld [smem:$0x3FDB];
	_ =	sdelay $0x1  }
0x9f: {  	s19 =	simm.s32 $_scs_section_size  }
0xa0: {  	s5 =	simm.s32 $_size__tile_overlayer_lowered;
	s6 =	simm.s32 $_tile_overlayer_lowered  }
0xa1: {  	s22 =	simm.s32 $0x1BFF;
	s21 =	sshll.u32 s6, $0x1;
	s3 =	sadd.s32 s19, s18  }
0xa2: {  	s7 =	simm.s32 $0x0;
	s20 =	sshll.u32 s5, $0x1;
	s5 =	sadd.s32 s21, s3  }
0xa3: {  	[timem:s7], [sflag:s22] =	dma.local [hbm:s5], s20  }
0xa4: {  	_ =	swait.ge [sflag:s22], s20  }
0xa5: {  	s4 =	ssub.s32 $0x0, s20;
	[sflag:s22] =	ssyncset.done $0x0  }
0xa6: {  	[sflag:s22] =	ssyncadd.s32 s4;
	_ =	sdelay $0x1  }
0xa7: {  	s23 =	simm.s32 $0x1B8B  }
0xa8: {  	_ =	swait.ge [sflag:s23], $0x1  }
0xa9: {  	[sflag:s23] =	ssyncset.done $0x0  }
0xaa: {  	s25 =	simm.s32 $0x1B8E;
	s24 =	sld [smem:$0x3FFE];
	[sflag:s23] =	ssyncadd.s32 $0xFFFFFFFF  }
0xab: {  	s26 =	simm.s32 $execute0_lowered;
	[smem:$0x3FD2] =	sst s25  }
0xac: {  	s5 =	sshll.u32 s26, $0x1;
	_ =	strace $0x80000046;
	[dreg:$0x1] =	wrdreg $0xFFFFFFFF  }
0xad: {  	s28 =	simm.s32 $_size_execute0_lowered;
	s3 =	sadd.s32 s3, s5;
	[dreg:$0x0] =	wrdreg $0x0  }
0xae: {  	s5 =	sshll.u32 s28, $0x1;
	[dreg:$0x2] =	wrdreg s3  }
0xaf: {  	[dreg:$0x3] =	wrdreg s5  }
0xb0: {  	[dreg:$0x4] =	wrdreg $0xC0  }
0xb1: {  	_ =	task [dreg:s7], $0x5FFFF  }
0xb2: {  	[dreg:$0x1] =	wrdreg $0xFFFFFFFF  }
0xb3: {  	[dreg:$0x0] =	wrdreg $0x60  }
0xb4: {  	[dreg:$0x2] =	wrdreg s16  }
0xb5: {  	[dreg:$0x3] =	wrdreg s24  }
0xb6: {  	[dreg:$0x4] =	wrdreg $0x9  }
0xb7: {  	_ =	task.clear_ibuf [dreg:s7], $0x5FFFF;
	_ =	strace $0x90000046  }
0xb8: {  	s29 =	simm.s32 $0x9;
	_ =	strace $0x80000048  }
0xb9: {  	_ =	swait.ge [sflag:s29], $0x1  }
0xba: {  	[sflag:s29] =	ssyncadd.s32 $0xFFFFFFFF  }
0xbb: {  	_ =	strace $0x90000048  }
0xbc: {  	_ =	sfence  }
0xbd: {  	s30 =	sld [smem:$0x0];
	_ =	sdelay $0x2  }
0xbe: {  	s31 =	sshll.u32 s1, $0xD;
	s1 =	sshrl.u32 s1, $0x2  }
0xbf: {  	s3 =	sand.u32 $0x4000, s31;
	s1 =	sadd.s32 s1, s30  }
0xc0: {  	s0 =	sor.u32 s3, s0;
	s1 =	sshll.u32 s1, $0x11  }
0xc1: {  	s0 =	sor.u32 s1, s0  }
0xc2: {  	s0 =	sadd.s32 $0x8F2B, s0  }
0xc3: {  	[sflag:s0] =	ssyncadd.remote.s32 $0x1  }
0xc4: {  	_ =	sfence.sel $0xFFFF  }
0xc5: {  	[dreg:$0x0] =	wrdreg $0xFFFFFFFF;
	(pc) =	sbr.abs _section_cstart, $3  }
0xc6: {  	[dreg:$0x1] =	wrdreg $0xFFFFFFFF  }
0xc7: {  	_ =	task.clear_ibuf [dreg:s7], $0x2FFFF;
	_ =	strace $0x9FFFFFFF  }
0xc8: {  	(tm) =	ssettm $0x7FFFFFFF  }
0xc9: {  	_ =	shalt  }
tec
execute0_lowered:
.L_overlay_start_1:
0x0: {  	(tag) =	ssettag $0x1  }
0x1: {  	s1 =	rddreg [dreg:$0x0]  }
0x2: {  	s5 =	rddreg [dreg:$0x1]  }
0x3: {  	s0 =	rddreg [dreg:$0x2];
	s3 =	simm.s32 $0x0;
	s4 =	srdreg.scid  }
0x4: {  	s2 =	stileid.u32;
	s13 =	simm.s32 $0x1;
	s14 =	simm.s32 $0x1100  }
0x5: {  	s15 =	simm.s32 $0x2100;
	s16 =	simm.s32 $0x0;
	[smem:$0x7FF] =	sst s3  }
0x6: {  	s4 =	sand.u32 $0x1, s4;
	s6 =	sshll.u32 s2, $0x1;
	s7 =	sadd.s32 $0x8400, s5  }
0x7: {  	_ =	strace $0x80000047;
	s6 =	sor.u32 s4, s6;
	s4 =	ssub.s32 $0x2, s4  }
0x8: {  	s8 =	sshll.u32 s6, $0xA;
	s10 =	sshrl.u32 s4, $0x1;
	s11 =	sshll.u32 s6, $0x8  }
0x9: {  	s30 =	sshll.u32 s6, $0x5;
	s9 =	sadd.s32 s8, s5;
	s10 =	ssub.s32 s4, s10  }
0xa: {  	s31 =	sor.u32 $0x80, s11;
	s4 =	sadd.s32 s5, s30;
	s6 =	sadd.s32 s7, s8  }
0xb: {  	s11 =	sshrl.u32 s31, $0x3;
	s12 =	sshll.u32 s31, $0x2;
	s8 =	sadd.s32 $0x400, s9  }
0xc: {  	s9 =	smax.u32 s10, $0x1;
	s10 =	simm.s32 $0x2;
	s5 =	sadd.s32 s5, s11  }
0xd: {  	v0 =	vimm.s32 $0x0;
	v1 =	vimm.s32 $0x1;
	s7 =	sadd.s32 s7, s12;
	s11 =	simm.s32 $0x80;
	s12 =	simm.s32 $0x100  }
.LBB2_1:
0xe: {  	[tilespmem:s3], [sflag:$0x2] =	stream.linear.gather [hbm4b:s4+s3], $0x80, $0x38;
	[tilespmem:$0x4100] =	vst v63  }
0xf: {  	_ =	swait.ge [sflag:s10], $0x80  }
0x10: {  	[sflag:s10] =	ssyncset.done $0x0  }
0x11: {  	[sflag:s10] =	ssyncadd.s32 $0xFFFFFF80  }
0x12: {  	[tilespmem:s11], [sflag:$0x2] =	stream.linear.gather [hbm4b:s5+s3], $0x80, $0x38;
	[tilespmem:$0x4100] =	vst v63  }
0x13: {  	_ =	swait.ge [sflag:s10], $0x80  }
0x14: {  	[sflag:s10] =	ssyncset.done $0x0  }
0x15: {  	s17 =	simm.s32 $0x40;
	s18 =	simm.s32 $0x0;
	[sflag:s10] =	ssyncadd.s32 $0xFFFFFF80  }
.LBB2_2:
0x16: {  	p0 =	sne.s32 s17, $0x7FC0;
	[tilespmem:s18+$0x2100] =	vst v0;
	s18 =	smov.u32 s17;
	s17 =	sadd.s32 $0x40, s17  }
.Ltmp0:
0x17: {  	(pc) =	sbr.rel @p0 .LBB2_2-.Ltmp0, $2  }
0x18: {  	_ =	sdelay $0x2  }
0x19: {  	s18 =	sshra.s32 s18, $0x2  }
0x1a: {  	[tilespmem:s18+$0x2100] =	vst v0  }
0x1b: {  	[tilespmem:s12], [sflag:$0x1] =	stream.indirect.gather [hbm4b:s1+s11], $0x20, s3, s11, $0xb8;
	[tilespmem:$0x4100] =	vst v63  }
0x1c: {  	_ =	swait.ge [sflag:s13], $0x1000  }
0x1d: {  	[sflag:s13] =	ssyncset.done $0x0  }
0x1e: {  	[sflag:s13] =	ssyncadd.s32 $0xFFFFF000  }
0x1f: {  	[tilespmem:s14], [sflag:$0x1] =	stream.indirect.gather [hbm4b:s1+s11], $0x20, s11, s11, $0xb8;
	[tilespmem:$0x4100] =	vst v63  }
0x20: {  	_ =	swait.ge [sflag:s13], $0x1000  }
0x21: {  	[sflag:s13] =	ssyncset.done $0x0  }
0x22: {  	[sflag:s13] =	ssyncadd.s32 $0xFFFFF000  }
0x23: {  	[hbm4b:s6+s3] =	stream.linear.scatter [tilespmem:s12], [sflag:$0x2], $0x1000, $0x38;
	[tilespmem:$0x4100] =	vst v63  }
0x24: {  	_ =	swait.ge [sflag:s10], $0x1000  }
0x25: {  	[sflag:s10] =	ssyncset.done $0x0  }
0x26: {  	[sflag:s10] =	ssyncadd.s32 $0xFFFFF000  }
0x27: {  	[hbm4b:s7+s3] =	stream.linear.scatter [tilespmem:s14], [sflag:$0x2], $0x1000, $0x38;
	[tilespmem:$0x4100] =	vst v63  }
0x28: {  	_ =	swait.ge [sflag:s10], $0x1000  }
0x29: {  	[sflag:s10] =	ssyncset.done $0x0  }
0x2a: {  	[sflag:s10] =	ssyncadd.s32 $0xFFFFF000  }
0x2b: {  	v2 =	vld [tilespmem:$0x0];
	_ =	sdelay $0x7  }
0x2c: {  	[tilespmem:v2+s15+$0x0] =	vst.idx.add.s32.msk $0xffff, v1  }
0x2d: {  	v2 =	vld [tilespmem:$0x10];
	_ =	sdelay $0x7  }
0x2e: {  	[tilespmem:v2+s15+$0x0] =	vst.idx.add.s32.msk $0xffff, v1  }
0x2f: {  	v2 =	vld [tilespmem:$0x20];
	_ =	sdelay $0x7  }
0x30: {  	[tilespmem:v2+s15+$0x0] =	vst.idx.add.s32.msk $0xffff, v1  }
0x31: {  	v2 =	vld [tilespmem:$0x30];
	_ =	sdelay $0x7  }
0x32: {  	[tilespmem:v2+s15+$0x0] =	vst.idx.add.s32.msk $0xffff, v1  }
0x33: {  	v2 =	vld [tilespmem:$0x40];
	_ =	sdelay $0x7  }
0x34: {  	[tilespmem:v2+s15+$0x0] =	vst.idx.add.s32.msk $0xffff, v1  }
0x35: {  	v2 =	vld [tilespmem:$0x50];
	_ =	sdelay $0x7  }
0x36: {  	[tilespmem:v2+s15+$0x0] =	vst.idx.add.s32.msk $0xffff, v1  }
0x37: {  	v2 =	vld [tilespmem:$0x60];
	_ =	sdelay $0x7  }
0x38: {  	[tilespmem:v2+s15+$0x0] =	vst.idx.add.s32.msk $0xffff, v1  }
0x39: {  	v2 =	vld [tilespmem:$0x70];
	_ =	sdelay $0x7  }
0x3a: {  	[tilespmem:v2+s15+$0x0] =	vst.idx.add.s32.msk $0xffff, v1  }
0x3b: {  	v2 =	vld [tilespmem:$0x80];
	_ =	sdelay $0x7  }
0x3c: {  	[tilespmem:v2+s15+$0x0] =	vst.idx.add.s32.msk $0xffff, v1  }
0x3d: {  	v2 =	vld [tilespmem:$0x90];
	_ =	sdelay $0x7  }
0x3e: {  	[tilespmem:v2+s15+$0x0] =	vst.idx.add.s32.msk $0xffff, v1  }
0x3f: {  	v2 =	vld [tilespmem:$0xA0];
	_ =	sdelay $0x7  }
0x40: {  	[tilespmem:v2+s15+$0x0] =	vst.idx.add.s32.msk $0xffff, v1  }
0x41: {  	v2 =	vld [tilespmem:$0xB0];
	_ =	sdelay $0x7  }
0x42: {  	[tilespmem:v2+s15+$0x0] =	vst.idx.add.s32.msk $0xffff, v1  }
0x43: {  	v2 =	vld [tilespmem:$0xC0];
	_ =	sdelay $0x7  }
0x44: {  	[tilespmem:v2+s15+$0x0] =	vst.idx.add.s32.msk $0xffff, v1  }
0x45: {  	v2 =	vld [tilespmem:$0xD0];
	_ =	sdelay $0x7  }
0x46: {  	[tilespmem:v2+s15+$0x0] =	vst.idx.add.s32.msk $0xffff, v1  }
0x47: {  	v2 =	vld [tilespmem:$0xE0];
	_ =	sdelay $0x7  }
0x48: {  	[tilespmem:v2+s15+$0x0] =	vst.idx.add.s32.msk $0xffff, v1  }
0x49: {  	v2 =	vld [tilespmem:$0xF0];
	_ =	sdelay $0x5  }
0x4a: {  	s16 =	sadd.s32 $0x1, s16  }
0x4b: {  	p0 =	sne.s32 s16, s9  }
.Ltmp1:
0x4c: {  	[tilespmem:v2+s15+$0x0] =	vst.idx.add.s32.msk $0xffff, v1;
	(pc) =	sbr.rel @p0 .LBB2_1-.Ltmp1, $4  }
0x4d: {  	[hbm4b:s8+s3] =	stream.linear.scatter [tilespmem:s15], [sflag:$0x2], $0x2000, $0x38;
	[tilespmem:$0x4100] =	vst v63  }
0x4e: {  	_ =	swait.ge [sflag:s10], $0x2000  }
0x4f: {  	[sflag:s10] =	ssyncset.done $0x0  }
0x50: {  	[sflag:s10] =	ssyncadd.s32 $0xFFFFE000  }
0x51: {  	_ =	sfence.sel $0x180000  }
0x52: {  	[bflag:$0x0] =	sbarrier.arrive $0xFFFF  }
0x53: {  	p0 =	sne.s32 s2, $0x0;
	_ =	strace $0x90000047  }
0x54: {  	s0 =	sadd.s32 @!p0 $0x100000, s0;
	[bflag:$0x2] =	sbarrier.arrive $0xFFFF  }
0x55: {  	[sflag:s0] =	ssyncadd.tile.s32 @!p0 $0x1;
	_ =	shalt  }
.Lfunc_end2:
_tile_overlayer_lowered:
.L_overlay_start_2:
0x56: {  	(tag) =	ssettag $0x2  }
0x57: {  	s0 =	rddreg [dreg:$0x0];
	s2 =	stileid.u32  }
0x58: {  	s1 =	rddreg [dreg:$0x1];
	p0 =	sne.s32 s2, $0x0  }
0x59: {  	s3 =	rddreg [dreg:$0x2];
	[bflag:$0x3] =	sbarrier.arrive $0xFFFF;
	s2 =	simm.s32 @!p0 $0x1C02  }
0x5a: {  	[timem:s3], [sflag:s2] =	dma.local @!p0 [hbm:s0], s1  }
0x5b: {  	s0 =	simm.s32 @!p0 $0x2  }
0x5c: {  	_ =	swait.ge @!p0 [sflag:s0], s1  }
0x5d: {  	s1 =	ssub.s32 @!p0 $0x0, s1;
	[sflag:s0] =	ssyncset.done @!p0 $0x0  }
0x5e: {  	[sflag:s0] =	ssyncadd.s32 @!p0 s1  }
0x5f: {  	[bflag:$0x3] =	sbarrier.arrive $0xFFFF  }
0x60: {  	_ =	shalt  }

</sc_bundles>
